<compile_context>
chip_gen: v7x
topology: tpu7x:2x2x1
jax: 0.10.2.dev20260603
libtpu: 0.0.44.dev20260713+nightly
codegen_flags: <defaults>
</compile_context>

<pallas_src>
import functools

import jax
import jax.numpy as jnp
from jax import lax
from jax.experimental import pallas as pl
from jax.experimental.pallas import tpu as pltpu
from jax.experimental.pallas import tpu_sc as plsc

_NUM_CORES = 2
_NUM_SUBCORES = 16
_NUM_WORKERS = _NUM_CORES * _NUM_SUBCORES


_NCHUNK = 4


def _gather_call(b_per_w, batch, dim, vocab):
    mesh = plsc.VectorSubcoreMesh(core_axis_name="c", subcore_axis_name="s")
    nchunk = _NCHUNK
    chunk = b_per_w // nchunk

    @functools.partial(
        pl.kernel,
        mesh=mesh,
        out_type=jax.ShapeDtypeStruct((batch, dim), jnp.float32),
        scratch_types=[
            pltpu.VMEM((b_per_w,), jnp.int32),
            pltpu.VMEM((nchunk, chunk, dim), jnp.float32),
            pltpu.VMEM_SHARED((vocab, dim), jnp.float32),
            pltpu.SemaphoreType.DMA,
            pltpu.SemaphoreType.DMA,
        ],
    )
    def gather_kernel(idx_hbm, table_hbm, out_hbm, idx_v, rows_v, table_sh, gsem, ssem):
        sid = lax.axis_index("s")
        wid = sid * _NUM_CORES + lax.axis_index("c")
        base = wid * b_per_w

        @pl.when(sid == 0)
        def _load_table():
            pltpu.sync_copy(table_hbm, table_sh)

        pltpu.sync_copy(idx_hbm.at[pl.ds(base, b_per_w)], idx_v)
        plsc.subcore_barrier()
        gathers = [
            pltpu.async_copy(
                table_sh.at[idx_v.at[pl.ds(j * chunk, chunk)]], rows_v.at[j], gsem
            )
            for j in range(nchunk)
        ]
        scatters = []
        for j in range(nchunk):
            gathers[j].wait()
            scatters.append(
                pltpu.async_copy(
                    rows_v.at[j], out_hbm.at[pl.ds(base + j * chunk, chunk)], ssem
                )
            )
        for s in scatters:
            s.wait()

    return gather_kernel


def kernel(features, classes, word_embedding):
    del features
    batch = classes.shape[0]
    vocab, dim = word_embedding.shape
    b_per_w = batch // _NUM_WORKERS
    return _gather_call(b_per_w, batch, dim, vocab)(classes, word_embedding)

# --- scband reference (transcript-rebuilt; emitter-appended) ---
"""Pipeline reference for scband-semantic-relation-14714557956272 (READ-ONLY COPY).

The authoritative reference and input builder live on the scoring server;
editing this copy changes nothing except your own understanding.
"""

import jax, jax.numpy as jnp
import numpy as np

NUM_CLASSES = 1000
EMBED_DIM = 128
BATCH = 16384

def setup_inputs(seed: int = 0) -> dict:
    key = jax.random.key(seed)
    k1, k2, k3 = jax.random.split(key, 3)
    features = jax.random.normal(k1, (BATCH, EMBED_DIM), dtype=jnp.float32)
    classes = jax.random.randint(k2, (BATCH,), 0, NUM_CLASSES, dtype=jnp.int32)
    # learned/frozen parameter: the precomputed per-category word embedding table
    word_embedding = jax.random.normal(k3, (NUM_CLASSES, EMBED_DIM), dtype=jnp.float32) * 0.1
    return {"features": features, "classes": classes, "word_embedding": word_embedding}

def reference(features, classes, word_embedding):
    # Original forward: nodes = [self.word_embedding[index] for index in classes]
    # This is a per-index row gather from the class word-embedding table.
    # Vectorized faithful translation (stacked list of gathered rows):
    nodes = jnp.take(word_embedding, classes, axis=0)
    return nodes

if __name__ == "__main__":
    import jax
    _d = setup_inputs()
    print(jax.jit(kernel)(*tuple(_d.values())))

</pallas_src>

<mosaic_0001>
#map = affine_map<(d0, d1) -> (0)>
#map1 = affine_map<(d0, d1) -> (0, 0)>
module attributes {stable_mosaic.version = 14 : i64} {
  func.func @gather_kernel(%arg0: i32, %arg1: i32, %arg2: memref<16384xi32, #tpu.memory_space<hbm>>, %arg3: memref<1000x128xf32, #tpu.memory_space<hbm>>, %arg4: memref<16384x128xf32, #tpu.memory_space<hbm>>, %arg5: memref<512xi32, #tpu.memory_space<vmem>>, %arg6: memref<4x128x128xf32, #tpu.memory_space<vmem>>, %arg7: memref<1000x128xf32, #tpu.memory_space<vmem_shared>>, %arg8: memref<!tpu.dma_semaphore, #tpu.memory_space<semaphore_mem>>, %arg9: memref<!tpu.dma_semaphore, #tpu.memory_space<semaphore_mem>>) attributes {dimension_semantics = [#tpu.dimension_semantics<core_parallel>, #tpu.dimension_semantics<subcore_parallel>], iteration_bounds = array<i64: 2, 16>, scalar_prefetch = 0 : i64, scratch_operands = 5 : i64, tpu.core_type = #tpu.core_type<sc_vector_subcore>, window_params = [{transform_indices = #map}, {transform_indices = #map1}, {transform_indices = #map1}]} {
    %mul3A = arith.constant 2 : i32
    %mul3A_0 = arith.muli %arg1, %mul3A : i32
    %add3A = arith.addi %mul3A_0, %arg0 : i32
    %mul3A_1 = arith.constant 512 : i32
    %mul3A_2 = arith.muli %add3A, %mul3A_1 : i32
    %eq3A = arith.constant 0 : i32
    %eq3A_3 = arith.cmpi eq, %arg1, %eq3A : i32
    %convert_element_type3A = arith.extui %eq3A_3 : i1 to i32
    %cond3A = arith.constant 0 : i32
    %cond3A_4 = arith.cmpi ne, %convert_element_type3A, %cond3A : i32
    scf.if %cond3A_4 {
      "tpu.region"() ({
        %run_scoped3A = tpu.sem_alloc : memref<!tpu.dma_semaphore, #tpu.memory_space<semaphore_mem>>
        tpu.enqueue_dma source(%arg3 : memref<1000x128xf32, #tpu.memory_space<hbm>>) target(%arg7 : memref<1000x128xf32, #tpu.memory_space<vmem_shared>>) target_semaphore(%run_scoped3A : memref<!tpu.dma_semaphore, #tpu.memory_space<semaphore_mem>>)
        tpu.wait_dma2 semaphore(%run_scoped3A : memref<!tpu.dma_semaphore, #tpu.memory_space<semaphore_mem>>) src(%arg3 : memref<1000x128xf32, #tpu.memory_space<hbm>>) dst(%arg7 : memref<1000x128xf32, #tpu.memory_space<vmem_shared>>)
        tpu.yield
      }) : () -> ()
    } else {
    }
    "tpu.region"() ({
      %run_scoped3A = tpu.sem_alloc : memref<!tpu.dma_semaphore, #tpu.memory_space<semaphore_mem>>
      %dma_start3A_195 = tpu.memref_slice %arg2[%mul3A_2] : memref<16384xi32, #tpu.memory_space<hbm>> -> memref<512xi32, #tpu.memory_space<hbm>>
      %dma_start3A_196 = tpu.memref_slice %arg2[%mul3A_2] : memref<16384xi32, #tpu.memory_space<hbm>> -> memref<512xi32, #tpu.memory_space<hbm>>
      tpu.enqueue_dma source(%dma_start3A_196 : memref<512xi32, #tpu.memory_space<hbm>>) target(%arg5 : memref<512xi32, #tpu.memory_space<vmem>>) target_semaphore(%run_scoped3A : memref<!tpu.dma_semaphore, #tpu.memory_space<semaphore_mem>>)
      %dma_wait3A_197 = tpu.memref_slice %arg2[%mul3A_2] : memref<16384xi32, #tpu.memory_space<hbm>> -> memref<512xi32, #tpu.memory_space<hbm>>
      %dma_wait3A_198 = tpu.memref_slice %arg2[%mul3A_2] : memref<16384xi32, #tpu.memory_space<hbm>> -> memref<512xi32, #tpu.memory_space<hbm>>
      tpu.wait_dma2 semaphore(%run_scoped3A : memref<!tpu.dma_semaphore, #tpu.memory_space<semaphore_mem>>) src(%dma_wait3A_198 : memref<512xi32, #tpu.memory_space<hbm>>) dst(%arg5 : memref<512xi32, #tpu.memory_space<vmem>>)
      tpu.yield
    }) : () -> ()
    %barrier3A = arith.constant 0 : index
    tpu.barrier barrier_id(%barrier3A)
    %dma_start3A = arith.constant 0 : i32
    %dma_start3A_5 = arith.constant 0 : i32
    %dma_start3A_6 = arith.constant 0 : i32
    %dma_start3A_7 = tpu.memref_slice %arg6[%dma_start3A, %dma_start3A_5, %dma_start3A_6] : memref<4x128x128xf32, #tpu.memory_space<vmem>> -> memref<1x128x128xf32, #tpu.memory_space<vmem>>
    %dma_start3A_8 = tpu.memref_squeeze %dma_start3A_7 : memref<1x128x128xf32, #tpu.memory_space<vmem>> -> memref<128x128xf32, #tpu.memory_space<vmem>>
    %dma_start3A_9 = arith.constant 0 : i32
    %dma_start3A_10 = tpu.memref_slice %arg5[%dma_start3A_9] : memref<512xi32, #tpu.memory_space<vmem>> -> memref<128xi32, #tpu.memory_space<vmem>>
    %dma_start3A_11 = arith.constant 0 : i32
    %dma_start3A_12 = arith.constant 0 : i32
    %dma_start3A_13 = tpu.memref_slice %arg7[%dma_start3A_11, %dma_start3A_12] : memref<1000x128xf32, #tpu.memory_space<vmem_shared>> -> memref<1000x128xf32, #tpu.memory_space<vmem_shared>>
    tpu.enqueue_indirect_dma source(%dma_start3A_13 : memref<1000x128xf32, #tpu.memory_space<vmem_shared>>) target(%dma_start3A_8 : memref<128x128xf32, #tpu.memory_space<vmem>>) offsets(%dma_start3A_10 : memref<128xi32, #tpu.memory_space<vmem>>) semaphore(%arg8 : memref<!tpu.dma_semaphore, #tpu.memory_space<semaphore_mem>>)
    %dma_start3A_14 = arith.constant 1 : i32
    %dma_start3A_15 = arith.constant 0 : i32
    %dma_start3A_16 = arith.constant 0 : i32
    %dma_start3A_17 = tpu.memref_slice %arg6[%dma_start3A_14, %dma_start3A_15, %dma_start3A_16] : memref<4x128x128xf32, #tpu.memory_space<vmem>> -> memref<1x128x128xf32, #tpu.memory_space<vmem>>
    %dma_start3A_18 = tpu.memref_squeeze %dma_start3A_17 : memref<1x128x128xf32, #tpu.memory_space<vmem>> -> memref<128x128xf32, #tpu.memory_space<vmem>>
    %dma_start3A_19 = arith.constant 128 : i32
    %dma_start3A_20 = tpu.memref_slice %arg5[%dma_start3A_19] : memref<512xi32, #tpu.memory_space<vmem>> -> memref<128xi32, #tpu.memory_space<vmem>>
    %dma_start3A_21 = arith.constant 0 : i32
    %dma_start3A_22 = arith.constant 0 : i32
    %dma_start3A_23 = tpu.memref_slice %arg7[%dma_start3A_21, %dma_start3A_22] : memref<1000x128xf32, #tpu.memory_space<vmem_shared>> -> memref<1000x128xf32, #tpu.memory_space<vmem_shared>>
    tpu.enqueue_indirect_dma source(%dma_start3A_23 : memref<1000x128xf32, #tpu.memory_space<vmem_shared>>) target(%dma_start3A_18 : memref<128x128xf32, #tpu.memory_space<vmem>>) offsets(%dma_start3A_20 : memref<128xi32, #tpu.memory_space<vmem>>) semaphore(%arg8 : memref<!tpu.dma_semaphore, #tpu.memory_space<semaphore_mem>>)
    %dma_start3A_24 = arith.constant 2 : i32
    %dma_start3A_25 = arith.constant 0 : i32
    %dma_start3A_26 = arith.constant 0 : i32
    %dma_start3A_27 = tpu.memref_slice %arg6[%dma_start3A_24, %dma_start3A_25, %dma_start3A_26] : memref<4x128x128xf32, #tpu.memory_space<vmem>> -> memref<1x128x128xf32, #tpu.memory_space<vmem>>
    %dma_start3A_28 = tpu.memref_squeeze %dma_start3A_27 : memref<1x128x128xf32, #tpu.memory_space<vmem>> -> memref<128x128xf32, #tpu.memory_space<vmem>>
    %dma_start3A_29 = arith.constant 256 : i32
    %dma_start3A_30 = tpu.memref_slice %arg5[%dma_start3A_29] : memref<512xi32, #tpu.memory_space<vmem>> -> memref<128xi32, #tpu.memory_space<vmem>>
    %dma_start3A_31 = arith.constant 0 : i32
    %dma_start3A_32 = arith.constant 0 : i32
    %dma_start3A_33 = tpu.memref_slice %arg7[%dma_start3A_31, %dma_start3A_32] : memref<1000x128xf32, #tpu.memory_space<vmem_shared>> -> memref<1000x128xf32, #tpu.memory_space<vmem_shared>>
    tpu.enqueue_indirect_dma source(%dma_start3A_33 : memref<1000x128xf32, #tpu.memory_space<vmem_shared>>) target(%dma_start3A_28 : memref<128x128xf32, #tpu.memory_space<vmem>>) offsets(%dma_start3A_30 : memref<128xi32, #tpu.memory_space<vmem>>) semaphore(%arg8 : memref<!tpu.dma_semaphore, #tpu.memory_space<semaphore_mem>>)
    %dma_start3A_34 = arith.constant 3 : i32
    %dma_start3A_35 = arith.constant 0 : i32
    %dma_start3A_36 = arith.constant 0 : i32
    %dma_start3A_37 = tpu.memref_slice %arg6[%dma_start3A_34, %dma_start3A_35, %dma_start3A_36] : memref<4x128x128xf32, #tpu.memory_space<vmem>> -> memref<1x128x128xf32, #tpu.memory_space<vmem>>
    %dma_start3A_38 = tpu.memref_squeeze %dma_start3A_37 : memref<1x128x128xf32, #tpu.memory_space<vmem>> -> memref<128x128xf32, #tpu.memory_space<vmem>>
    %dma_start3A_39 = arith.constant 384 : i32
    %dma_start3A_40 = tpu.memref_slice %arg5[%dma_start3A_39] : memref<512xi32, #tpu.memory_space<vmem>> -> memref<128xi32, #tpu.memory_space<vmem>>
    %dma_start3A_41 = arith.constant 0 : i32
    %dma_start3A_42 = arith.constant 0 : i32
    %dma_start3A_43 = tpu.memref_slice %arg7[%dma_start3A_41, %dma_start3A_42] : memref<1000x128xf32, #tpu.memory_space<vmem_shared>> -> memref<1000x128xf32, #tpu.memory_space<vmem_shared>>
    tpu.enqueue_indirect_dma source(%dma_start3A_43 : memref<1000x128xf32, #tpu.memory_space<vmem_shared>>) target(%dma_start3A_38 : memref<128x128xf32, #tpu.memory_space<vmem>>) offsets(%dma_start3A_40 : memref<128xi32, #tpu.memory_space<vmem>>) semaphore(%arg8 : memref<!tpu.dma_semaphore, #tpu.memory_space<semaphore_mem>>)
    %dma_wait3A = arith.constant 0 : i32
    %dma_wait3A_44 = arith.constant 0 : i32
    %dma_wait3A_45 = arith.constant 0 : i32
    %dma_wait3A_46 = tpu.memref_slice %arg6[%dma_wait3A, %dma_wait3A_44, %dma_wait3A_45] : memref<4x128x128xf32, #tpu.memory_space<vmem>> -> memref<1x128x128xf32, #tpu.memory_space<vmem>>
    %dma_wait3A_47 = tpu.memref_squeeze %dma_wait3A_46 : memref<1x128x128xf32, #tpu.memory_space<vmem>> -> memref<128x128xf32, #tpu.memory_space<vmem>>
    %dma_wait3A_48 = arith.constant 0 : i32
    %dma_wait3A_49 = tpu.memref_slice %arg5[%dma_wait3A_48] : memref<512xi32, #tpu.memory_space<vmem>> -> memref<128xi32, #tpu.memory_space<vmem>>
    %dma_wait3A_50 = arith.constant 0 : i32
    %dma_wait3A_51 = arith.constant 0 : i32
    %dma_wait3A_52 = tpu.memref_slice %arg7[%dma_wait3A_50, %dma_wait3A_51] : memref<1000x128xf32, #tpu.memory_space<vmem_shared>> -> memref<1000x128xf32, #tpu.memory_space<vmem_shared>>
    tpu.wait_indirect_dma semaphore(%arg8 : memref<!tpu.dma_semaphore, #tpu.memory_space<semaphore_mem>>) src(%dma_wait3A_52 : memref<1000x128xf32, #tpu.memory_space<vmem_shared>>) dst(%dma_wait3A_47 : memref<128x128xf32, #tpu.memory_space<vmem>>)
    %add3A_53 = arith.constant 0 : i32
    %add3A_54 = arith.addi %mul3A_2, %add3A_53 : i32
    %dma_start3A_55 = arith.constant 0 : i32
    %dma_start3A_56 = arith.constant 0 : i32
    %dma_start3A_57 = arith.constant 0 : i32
    %dma_start3A_58 = tpu.memref_slice %arg6[%dma_start3A_55, %dma_start3A_56, %dma_start3A_57] : memref<4x128x128xf32, #tpu.memory_space<vmem>> -> memref<1x128x128xf32, #tpu.memory_space<vmem>>
    %dma_start3A_59 = tpu.memref_squeeze %dma_start3A_58 : memref<1x128x128xf32, #tpu.memory_space<vmem>> -> memref<128x128xf32, #tpu.memory_space<vmem>>
    %dma_start3A_60 = arith.constant 0 : i32
    %dma_start3A_61 = tpu.memref_slice %arg4[%add3A_54, %dma_start3A_60] : memref<16384x128xf32, #tpu.memory_space<hbm>> -> memref<128x128xf32, #tpu.memory_space<hbm>>
    %dma_start3A_62 = arith.constant 0 : i32
    %dma_start3A_63 = tpu.memref_slice %arg4[%add3A_54, %dma_start3A_62] : memref<16384x128xf32, #tpu.memory_space<hbm>> -> memref<128x128xf32, #tpu.memory_space<hbm>>
    %dma_start3A_64 = arith.constant 0 : i32
    %dma_start3A_65 = arith.constant 0 : i32
    %dma_start3A_66 = tpu.memref_slice %arg6[%dma_start3A_55, %dma_start3A_64, %dma_start3A_65] : memref<4x128x128xf32, #tpu.memory_space<vmem>> -> memref<1x128x128xf32, #tpu.memory_space<vmem>>
    %dma_start3A_67 = tpu.memref_squeeze %dma_start3A_66 : memref<1x128x128xf32, #tpu.memory_space<vmem>> -> memref<128x128xf32, #tpu.memory_space<vmem>>
    tpu.enqueue_dma source(%dma_start3A_67 : memref<128x128xf32, #tpu.memory_space<vmem>>) target(%dma_start3A_63 : memref<128x128xf32, #tpu.memory_space<hbm>>) target_semaphore(%arg9 : memref<!tpu.dma_semaphore, #tpu.memory_space<semaphore_mem>>)
    %dma_wait3A_68 = arith.constant 1 : i32
    %dma_wait3A_69 = arith.constant 0 : i32
    %dma_wait3A_70 = arith.constant 0 : i32
    %dma_wait3A_71 = tpu.memref_slice %arg6[%dma_wait3A_68, %dma_wait3A_69, %dma_wait3A_70] : memref<4x128x128xf32, #tpu.memory_space<vmem>> -> memref<1x128x128xf32, #tpu.memory_space<vmem>>
    %dma_wait3A_72 = tpu.memref_squeeze %dma_wait3A_71 : memref<1x128x128xf32, #tpu.memory_space<vmem>> -> memref<128x128xf32, #tpu.memory_space<vmem>>
    %dma_wait3A_73 = arith.constant 128 : i32
    %dma_wait3A_74 = tpu.memref_slice %arg5[%dma_wait3A_73] : memref<512xi32, #tpu.memory_space<vmem>> -> memref<128xi32, #tpu.memory_space<vmem>>
    %dma_wait3A_75 = arith.constant 0 : i32
    %dma_wait3A_76 = arith.constant 0 : i32
    %dma_wait3A_77 = tpu.memref_slice %arg7[%dma_wait3A_75, %dma_wait3A_76] : memref<1000x128xf32, #tpu.memory_space<vmem_shared>> -> memref<1000x128xf32, #tpu.memory_space<vmem_shared>>
    tpu.wait_indirect_dma semaphore(%arg8 : memref<!tpu.dma_semaphore, #tpu.memory_space<semaphore_mem>>) src(%dma_wait3A_77 : memref<1000x128xf32, #tpu.memory_space<vmem_shared>>) dst(%dma_wait3A_72 : memref<128x128xf32, #tpu.memory_space<vmem>>)
    %add3A_78 = arith.constant 128 : i32
    %add3A_79 = arith.addi %mul3A_2, %add3A_78 : i32
    %dma_start3A_80 = arith.constant 1 : i32
    %dma_start3A_81 = arith.constant 0 : i32
    %dma_start3A_82 = arith.constant 0 : i32
    %dma_start3A_83 = tpu.memref_slice %arg6[%dma_start3A_80, %dma_start3A_81, %dma_start3A_82] : memref<4x128x128xf32, #tpu.memory_space<vmem>> -> memref<1x128x128xf32, #tpu.memory_space<vmem>>
    %dma_start3A_84 = tpu.memref_squeeze %dma_start3A_83 : memref<1x128x128xf32, #tpu.memory_space<vmem>> -> memref<128x128xf32, #tpu.memory_space<vmem>>
    %dma_start3A_85 = arith.constant 0 : i32
    %dma_start3A_86 = tpu.memref_slice %arg4[%add3A_79, %dma_start3A_85] : memref<16384x128xf32, #tpu.memory_space<hbm>> -> memref<128x128xf32, #tpu.memory_space<hbm>>
    %dma_start3A_87 = arith.constant 0 : i32
    %dma_start3A_88 = tpu.memref_slice %arg4[%add3A_79, %dma_start3A_87] : memref<16384x128xf32, #tpu.memory_space<hbm>> -> memref<128x128xf32, #tpu.memory_space<hbm>>
    %dma_start3A_89 = arith.constant 0 : i32
    %dma_start3A_90 = arith.constant 0 : i32
    %dma_start3A_91 = tpu.memref_slice %arg6[%dma_start3A_80, %dma_start3A_89, %dma_start3A_90] : memref<4x128x128xf32, #tpu.memory_space<vmem>> -> memref<1x128x128xf32, #tpu.memory_space<vmem>>
    %dma_start3A_92 = tpu.memref_squeeze %dma_start3A_91 : memref<1x128x128xf32, #tpu.memory_space<vmem>> -> memref<128x128xf32, #tpu.memory_space<vmem>>
    tpu.enqueue_dma source(%dma_start3A_92 : memref<128x128xf32, #tpu.memory_space<vmem>>) target(%dma_start3A_88 : memref<128x128xf32, #tpu.memory_space<hbm>>) target_semaphore(%arg9 : memref<!tpu.dma_semaphore, #tpu.memory_space<semaphore_mem>>)
    %dma_wait3A_93 = arith.constant 2 : i32
    %dma_wait3A_94 = arith.constant 0 : i32
    %dma_wait3A_95 = arith.constant 0 : i32
    %dma_wait3A_96 = tpu.memref_slice %arg6[%dma_wait3A_93, %dma_wait3A_94, %dma_wait3A_95] : memref<4x128x128xf32, #tpu.memory_space<vmem>> -> memref<1x128x128xf32, #tpu.memory_space<vmem>>
    %dma_wait3A_97 = tpu.memref_squeeze %dma_wait3A_96 : memref<1x128x128xf32, #tpu.memory_space<vmem>> -> memref<128x128xf32, #tpu.memory_space<vmem>>
    %dma_wait3A_98 = arith.constant 256 : i32
    %dma_wait3A_99 = tpu.memref_slice %arg5[%dma_wait3A_98] : memref<512xi32, #tpu.memory_space<vmem>> -> memref<128xi32, #tpu.memory_space<vmem>>
    %dma_wait3A_100 = arith.constant 0 : i32
    %dma_wait3A_101 = arith.constant 0 : i32
    %dma_wait3A_102 = tpu.memref_slice %arg7[%dma_wait3A_100, %dma_wait3A_101] : memref<1000x128xf32, #tpu.memory_space<vmem_shared>> -> memref<1000x128xf32, #tpu.memory_space<vmem_shared>>
    tpu.wait_indirect_dma semaphore(%arg8 : memref<!tpu.dma_semaphore, #tpu.memory_space<semaphore_mem>>) src(%dma_wait3A_102 : memref<1000x128xf32, #tpu.memory_space<vmem_shared>>) dst(%dma_wait3A_97 : memref<128x128xf32, #tpu.memory_space<vmem>>)
    %add3A_103 = arith.constant 256 : i32
    %add3A_104 = arith.addi %mul3A_2, %add3A_103 : i32
    %dma_start3A_105 = arith.constant 2 : i32
    %dma_start3A_106 = arith.constant 0 : i32
    %dma_start3A_107 = arith.constant 0 : i32
    %dma_start3A_108 = tpu.memref_slice %arg6[%dma_start3A_105, %dma_start3A_106, %dma_start3A_107] : memref<4x128x128xf32, #tpu.memory_space<vmem>> -> memref<1x128x128xf32, #tpu.memory_space<vmem>>
    %dma_start3A_109 = tpu.memref_squeeze %dma_start3A_108 : memref<1x128x128xf32, #tpu.memory_space<vmem>> -> memref<128x128xf32, #tpu.memory_space<vmem>>
    %dma_start3A_110 = arith.constant 0 : i32
    %dma_start3A_111 = tpu.memref_slice %arg4[%add3A_104, %dma_start3A_110] : memref<16384x128xf32, #tpu.memory_space<hbm>> -> memref<128x128xf32, #tpu.memory_space<hbm>>
    %dma_start3A_112 = arith.constant 0 : i32
    %dma_start3A_113 = tpu.memref_slice %arg4[%add3A_104, %dma_start3A_112] : memref<16384x128xf32, #tpu.memory_space<hbm>> -> memref<128x128xf32, #tpu.memory_space<hbm>>
    %dma_start3A_114 = arith.constant 0 : i32
    %dma_start3A_115 = arith.constant 0 : i32
    %dma_start3A_116 = tpu.memref_slice %arg6[%dma_start3A_105, %dma_start3A_114, %dma_start3A_115] : memref<4x128x128xf32, #tpu.memory_space<vmem>> -> memref<1x128x128xf32, #tpu.memory_space<vmem>>
    %dma_start3A_117 = tpu.memref_squeeze %dma_start3A_116 : memref<1x128x128xf32, #tpu.memory_space<vmem>> -> memref<128x128xf32, #tpu.memory_space<vmem>>
    tpu.enqueue_dma source(%dma_start3A_117 : memref<128x128xf32, #tpu.memory_space<vmem>>) target(%dma_start3A_113 : memref<128x128xf32, #tpu.memory_space<hbm>>) target_semaphore(%arg9 : memref<!tpu.dma_semaphore, #tpu.memory_space<semaphore_mem>>)
    %dma_wait3A_118 = arith.constant 3 : i32
    %dma_wait3A_119 = arith.constant 0 : i32
    %dma_wait3A_120 = arith.constant 0 : i32
    %dma_wait3A_121 = tpu.memref_slice %arg6[%dma_wait3A_118, %dma_wait3A_119, %dma_wait3A_120] : memref<4x128x128xf32, #tpu.memory_space<vmem>> -> memref<1x128x128xf32, #tpu.memory_space<vmem>>
    %dma_wait3A_122 = tpu.memref_squeeze %dma_wait3A_121 : memref<1x128x128xf32, #tpu.memory_space<vmem>> -> memref<128x128xf32, #tpu.memory_space<vmem>>
    %dma_wait3A_123 = arith.constant 384 : i32
    %dma_wait3A_124 = tpu.memref_slice %arg5[%dma_wait3A_123] : memref<512xi32, #tpu.memory_space<vmem>> -> memref<128xi32, #tpu.memory_space<vmem>>
    %dma_wait3A_125 = arith.constant 0 : i32
    %dma_wait3A_126 = arith.constant 0 : i32
    %dma_wait3A_127 = tpu.memref_slice %arg7[%dma_wait3A_125, %dma_wait3A_126] : memref<1000x128xf32, #tpu.memory_space<vmem_shared>> -> memref<1000x128xf32, #tpu.memory_space<vmem_shared>>
    tpu.wait_indirect_dma semaphore(%arg8 : memref<!tpu.dma_semaphore, #tpu.memory_space<semaphore_mem>>) src(%dma_wait3A_127 : memref<1000x128xf32, #tpu.memory_space<vmem_shared>>) dst(%dma_wait3A_122 : memref<128x128xf32, #tpu.memory_space<vmem>>)
    %add3A_128 = arith.constant 384 : i32
    %add3A_129 = arith.addi %mul3A_2, %add3A_128 : i32
    %dma_start3A_130 = arith.constant 3 : i32
    %dma_start3A_131 = arith.constant 0 : i32
    %dma_start3A_132 = arith.constant 0 : i32
    %dma_start3A_133 = tpu.memref_slice %arg6[%dma_start3A_130, %dma_start3A_131, %dma_start3A_132] : memref<4x128x128xf32, #tpu.memory_space<vmem>> -> memref<1x128x128xf32, #tpu.memory_space<vmem>>
    %dma_start3A_134 = tpu.memref_squeeze %dma_start3A_133 : memref<1x128x128xf32, #tpu.memory_space<vmem>> -> memref<128x128xf32, #tpu.memory_space<vmem>>
    %dma_start3A_135 = arith.constant 0 : i32
    %dma_start3A_136 = tpu.memref_slice %arg4[%add3A_129, %dma_start3A_135] : memref<16384x128xf32, #tpu.memory_space<hbm>> -> memref<128x128xf32, #tpu.memory_space<hbm>>
    %dma_start3A_137 = arith.constant 0 : i32
    %dma_start3A_138 = tpu.memref_slice %arg4[%add3A_129, %dma_start3A_137] : memref<16384x128xf32, #tpu.memory_space<hbm>> -> memref<128x128xf32, #tpu.memory_space<hbm>>
    %dma_start3A_139 = arith.constant 0 : i32
    %dma_start3A_140 = arith.constant 0 : i32
    %dma_start3A_141 = tpu.memref_slice %arg6[%dma_start3A_130, %dma_start3A_139, %dma_start3A_140] : memref<4x128x128xf32, #tpu.memory_space<vmem>> -> memref<1x128x128xf32, #tpu.memory_space<vmem>>
    %dma_start3A_142 = tpu.memref_squeeze %dma_start3A_141 : memref<1x128x128xf32, #tpu.memory_space<vmem>> -> memref<128x128xf32, #tpu.memory_space<vmem>>
    tpu.enqueue_dma source(%dma_start3A_142 : memref<128x128xf32, #tpu.memory_space<vmem>>) target(%dma_start3A_138 : memref<128x128xf32, #tpu.memory_space<hbm>>) target_semaphore(%arg9 : memref<!tpu.dma_semaphore, #tpu.memory_space<semaphore_mem>>)
    %dma_wait3A_143 = arith.constant 0 : i32
    %dma_wait3A_144 = arith.constant 0 : i32
    %dma_wait3A_145 = arith.constant 0 : i32
    %dma_wait3A_146 = tpu.memref_slice %arg6[%dma_wait3A_143, %dma_wait3A_144, %dma_wait3A_145] : memref<4x128x128xf32, #tpu.memory_space<vmem>> -> memref<1x128x128xf32, #tpu.memory_space<vmem>>
    %dma_wait3A_147 = tpu.memref_squeeze %dma_wait3A_146 : memref<1x128x128xf32, #tpu.memory_space<vmem>> -> memref<128x128xf32, #tpu.memory_space<vmem>>
    %dma_wait3A_148 = arith.constant 0 : i32
    %dma_wait3A_149 = tpu.memref_slice %arg4[%add3A_54, %dma_wait3A_148] : memref<16384x128xf32, #tpu.memory_space<hbm>> -> memref<128x128xf32, #tpu.memory_space<hbm>>
    %dma_wait3A_150 = arith.constant 0 : i32
    %dma_wait3A_151 = tpu.memref_slice %arg4[%add3A_54, %dma_wait3A_150] : memref<16384x128xf32, #tpu.memory_space<hbm>> -> memref<128x128xf32, #tpu.memory_space<hbm>>
    %dma_wait3A_152 = arith.constant 0 : i32
    %dma_wait3A_153 = arith.constant 0 : i32
    %dma_wait3A_154 = tpu.memref_slice %arg6[%dma_wait3A_143, %dma_wait3A_152, %dma_wait3A_153] : memref<4x128x128xf32, #tpu.memory_space<vmem>> -> memref<1x128x128xf32, #tpu.memory_space<vmem>>
    %dma_wait3A_155 = tpu.memref_squeeze %dma_wait3A_154 : memref<1x128x128xf32, #tpu.memory_space<vmem>> -> memref<128x128xf32, #tpu.memory_space<vmem>>
    tpu.wait_dma2 semaphore(%arg9 : memref<!tpu.dma_semaphore, #tpu.memory_space<semaphore_mem>>) src(%dma_wait3A_155 : memref<128x128xf32, #tpu.memory_space<vmem>>) dst(%dma_wait3A_151 : memref<128x128xf32, #tpu.memory_space<hbm>>)
    %dma_wait3A_156 = arith.constant 1 : i32
    %dma_wait3A_157 = arith.constant 0 : i32
    %dma_wait3A_158 = arith.constant 0 : i32
    %dma_wait3A_159 = tpu.memref_slice %arg6[%dma_wait3A_156, %dma_wait3A_157, %dma_wait3A_158] : memref<4x128x128xf32, #tpu.memory_space<vmem>> -> memref<1x128x128xf32, #tpu.memory_space<vmem>>
    %dma_wait3A_160 = tpu.memref_squeeze %dma_wait3A_159 : memref<1x128x128xf32, #tpu.memory_space<vmem>> -> memref<128x128xf32, #tpu.memory_space<vmem>>
    %dma_wait3A_161 = arith.constant 0 : i32
    %dma_wait3A_162 = tpu.memref_slice %arg4[%add3A_79, %dma_wait3A_161] : memref<16384x128xf32, #tpu.memory_space<hbm>> -> memref<128x128xf32, #tpu.memory_space<hbm>>
    %dma_wait3A_163 = arith.constant 0 : i32
    %dma_wait3A_164 = tpu.memref_slice %arg4[%add3A_79, %dma_wait3A_163] : memref<16384x128xf32, #tpu.memory_space<hbm>> -> memref<128x128xf32, #tpu.memory_space<hbm>>
    %dma_wait3A_165 = arith.constant 0 : i32
    %dma_wait3A_166 = arith.constant 0 : i32
    %dma_wait3A_167 = tpu.memref_slice %arg6[%dma_wait3A_156, %dma_wait3A_165, %dma_wait3A_166] : memref<4x128x128xf32, #tpu.memory_space<vmem>> -> memref<1x128x128xf32, #tpu.memory_space<vmem>>
    %dma_wait3A_168 = tpu.memref_squeeze %dma_wait3A_167 : memref<1x128x128xf32, #tpu.memory_space<vmem>> -> memref<128x128xf32, #tpu.memory_space<vmem>>
    tpu.wait_dma2 semaphore(%arg9 : memref<!tpu.dma_semaphore, #tpu.memory_space<semaphore_mem>>) src(%dma_wait3A_168 : memref<128x128xf32, #tpu.memory_space<vmem>>) dst(%dma_wait3A_164 : memref<128x128xf32, #tpu.memory_space<hbm>>)
    %dma_wait3A_169 = arith.constant 2 : i32
    %dma_wait3A_170 = arith.constant 0 : i32
    %dma_wait3A_171 = arith.constant 0 : i32
    %dma_wait3A_172 = tpu.memref_slice %arg6[%dma_wait3A_169, %dma_wait3A_170, %dma_wait3A_171] : memref<4x128x128xf32, #tpu.memory_space<vmem>> -> memref<1x128x128xf32, #tpu.memory_space<vmem>>
    %dma_wait3A_173 = tpu.memref_squeeze %dma_wait3A_172 : memref<1x128x128xf32, #tpu.memory_space<vmem>> -> memref<128x128xf32, #tpu.memory_space<vmem>>
    %dma_wait3A_174 = arith.constant 0 : i32
    %dma_wait3A_175 = tpu.memref_slice %arg4[%add3A_104, %dma_wait3A_174] : memref<16384x128xf32, #tpu.memory_space<hbm>> -> memref<128x128xf32, #tpu.memory_space<hbm>>
    %dma_wait3A_176 = arith.constant 0 : i32
    %dma_wait3A_177 = tpu.memref_slice %arg4[%add3A_104, %dma_wait3A_176] : memref<16384x128xf32, #tpu.memory_space<hbm>> -> memref<128x128xf32, #tpu.memory_space<hbm>>
    %dma_wait3A_178 = arith.constant 0 : i32
    %dma_wait3A_179 = arith.constant 0 : i32
    %dma_wait3A_180 = tpu.memref_slice %arg6[%dma_wait3A_169, %dma_wait3A_178, %dma_wait3A_179] : memref<4x128x128xf32, #tpu.memory_space<vmem>> -> memref<1x128x128xf32, #tpu.memory_space<vmem>>
    %dma_wait3A_181 = tpu.memref_squeeze %dma_wait3A_180 : memref<1x128x128xf32, #tpu.memory_space<vmem>> -> memref<128x128xf32, #tpu.memory_space<vmem>>
    tpu.wait_dma2 semaphore(%arg9 : memref<!tpu.dma_semaphore, #tpu.memory_space<semaphore_mem>>) src(%dma_wait3A_181 : memref<128x128xf32, #tpu.memory_space<vmem>>) dst(%dma_wait3A_177 : memref<128x128xf32, #tpu.memory_space<hbm>>)
    %dma_wait3A_182 = arith.constant 3 : i32
    %dma_wait3A_183 = arith.constant 0 : i32
    %dma_wait3A_184 = arith.constant 0 : i32
    %dma_wait3A_185 = tpu.memref_slice %arg6[%dma_wait3A_182, %dma_wait3A_183, %dma_wait3A_184] : memref<4x128x128xf32, #tpu.memory_space<vmem>> -> memref<1x128x128xf32, #tpu.memory_space<vmem>>
    %dma_wait3A_186 = tpu.memref_squeeze %dma_wait3A_185 : memref<1x128x128xf32, #tpu.memory_space<vmem>> -> memref<128x128xf32, #tpu.memory_space<vmem>>
    %dma_wait3A_187 = arith.constant 0 : i32
    %dma_wait3A_188 = tpu.memref_slice %arg4[%add3A_129, %dma_wait3A_187] : memref<16384x128xf32, #tpu.memory_space<hbm>> -> memref<128x128xf32, #tpu.memory_space<hbm>>
    %dma_wait3A_189 = arith.constant 0 : i32
    %dma_wait3A_190 = tpu.memref_slice %arg4[%add3A_129, %dma_wait3A_189] : memref<16384x128xf32, #tpu.memory_space<hbm>> -> memref<128x128xf32, #tpu.memory_space<hbm>>
    %dma_wait3A_191 = arith.constant 0 : i32
    %dma_wait3A_192 = arith.constant 0 : i32
    %dma_wait3A_193 = tpu.memref_slice %arg6[%dma_wait3A_182, %dma_wait3A_191, %dma_wait3A_192] : memref<4x128x128xf32, #tpu.memory_space<vmem>> -> memref<1x128x128xf32, #tpu.memory_space<vmem>>
    %dma_wait3A_194 = tpu.memref_squeeze %dma_wait3A_193 : memref<1x128x128xf32, #tpu.memory_space<vmem>> -> memref<128x128xf32, #tpu.memory_space<vmem>>
    tpu.wait_dma2 semaphore(%arg9 : memref<!tpu.dma_semaphore, #tpu.memory_space<semaphore_mem>>) src(%dma_wait3A_194 : memref<128x128xf32, #tpu.memory_space<vmem>>) dst(%dma_wait3A_190 : memref<128x128xf32, #tpu.memory_space<hbm>>)
    return
  }
}

</mosaic_0001>

<sc_bundles>
// kernel: kernel.3.cloned.1.call-start
scs
__scs_entry_jumppad:
0x0: {  	(pc) =	sbr.rel $0x88, $3  }
0x1: {  	(tag) =	ssettag $0x0;
	lr =	simm.s32 $0x1  }
0x2: {  	[smem:$0x3F9F] =	sst lr;
	_ =	strace $0xD0000000  }
0x3: {  	_ = 	snop  }
0x4: {  	_ = 	snop  }
0x5: {  	_ = 	snop  }
0x6: {  	_ = 	snop  }
0x7: {  	_ = 	snop  }
__scs_overlays_trampoline_lowered:
0x8: {  	[smem:$0x3FAE] =	sst s0  }
0x9: {  	[smem:$0x3FAF] =	sst s1  }
0xa: {  	[smem:$0x3FB0] =	sst s2  }
0xb: {  	[smem:$0x3FB1] =	sst s3  }
0xc: {  	[smem:$0x3FB2] =	sst s4  }
0xd: {  	[smem:$0x3FB3] =	sst s5  }
0xe: {  	[smem:$0x3FB4] =	sst s6  }
0xf: {  	[smem:$0x3FB5] =	sst s7  }
0x10: {  	[smem:$0x3FB6] =	sst s8  }
0x11: {  	[smem:$0x3FB7] =	sst s9;
	s0 =	simm.s32 @!p0 $0x0  }
0x12: {  	s1 =	sld [smem:$0x3F9D];
	s0 =	simm.s32 @p0 $0x1  }
0x13: {  	[smem:$0x3FB8] =	sst s0;
	s0 =	simm.s32 @!p1 $0x0  }
0x14: {  	s2 =	sld [smem:$0x3F9C];
	s0 =	simm.s32 @p1 $0x1  }
0x15: {  	[smem:$0x3FB9] =	sst s0;
	s0 =	simm.s32 @!p2 $0x0  }
0x16: {  	s3 =	sld [smem:$0x3FDB];
	s0 =	simm.s32 @p2 $0x1  }
0x17: {  	s4 =	simm.s32 $0x1BF5;
	[smem:$0x3FBB] =	sst s0  }
0x18: {  	s0 =	sld [smem:$0x3F9E];
	_ =	swait.ge [sflag:s4], $0x0  }
0x19: {  	s7 =	sld [smem:$0x3F9F]  }
0x1a: {  	s8 =	sadd.s32 $0xFFFFE003, lr  }
0x1b: {  	s9 =	sadd.s32 $0xFFFFFEF7, lr;
	s5 =	simm.s32 $0xFFFFFFFF;
	p2 =	slt.u32 s8, $0xFFFFF086  }
0x1c: {  	p1 =	slt.u32 s9, $0xF7A;
	s5 =	simm.s32 @!p2 $0x0  }
0x1d: {  	s5 =	simm.s32 @p1 $0x1;
	p0 =	seq.s32 s7, s2  }
0x1e: {  	s7 =	smul.u32 @!p0 $0xF7A, s2;
	p2 =	seq.s32 @!p0 s5, $0x0  }
0x1f: {  	s9 =	smul.u32 $0xF7A, s1;
	s8 =	simm.s32 @!p0 $0x1BF5;
	p2 =	por !p2, p0  }
0x20: {  	[sflag:s8] =	ssyncset.s32 @!p0 $0xFFFFF086;
	s6 =	sadd.s32 @!p0 s3, s7;
	s7 =	simm.s32 @!p0 $0x108  }
0x21: {  	s3 =	sadd.s32 s3, s9;
	s6 =	sadd.s32 @!p0 $0x88, s6;
	s7 =	simm.s32 @p2 $0x1082  }
0x22: {  	[simem:s7], [sflag:s8] =	dma.local @!p0 [hbm:s6], $0xF7A  }
0x23: {  	s9 =	sor.u32 $0xD0000000, s2;
	s6 =	simm.s32 $0x108;
	_ =	swait.ge @!p0 [sflag:s8], $0x0  }
0x24: {  	s3 =	sadd.s32 $0x88, s3;
	s6 =	simm.s32 @!p1 $0x1082;
	[sflag:s4] =	ssyncset.s32 $0xFFFFF086  }
0x25: {  	[simem:s6], [sflag:s4] =	dma.local [hbm:s3], $0xF7A  }
0x26: {  	[smem:$0x3F9F] =	sst s1;
	(tag) =	ssettag s2;
	_ =	strace s9  }
0x27: {  	s1 =	sld [smem:$0x3FAF]  }
0x28: {  	s2 =	sld [smem:$0x3FB0]  }
0x29: {  	s4 =	sld [smem:$0x3FB2]  }
0x2a: {  	p0 =	seq.s32 s5, $0x0;
	s5 =	sld [smem:$0x3FB3]  }
0x2b: {  	s6 =	sld [smem:$0x3FB4]  }
0x2c: {  	s7 =	sld [smem:$0x3FB5]  }
0x2d: {  	s3 =	simm.s32 $0x108;
	s8 =	sld [smem:$0x3FB6]  }
0x2e: {  	s3 =	simm.s32 @!p0 $0x1082;
	s9 =	sld [smem:$0x3FB7]  }
0x2f: {  	lr =	sadd.s32 s0, s3;
	s0 =	sld [smem:$0x3FAE]  }
0x30: {  	s3 =	sld [smem:$0x3FB1]  }
0x31: {  	[smem:$0x3FBA] =	sst s10  }
0x32: {  	s10 =	sld [smem:$0x3FB8];
	_ =	sdelay $0x3  }
0x33: {  	p0 =	seq.s32 s10, $0x1;
	s10 =	sld [smem:$0x3FBA];
	_ =	sdelay $0x3  }
0x34: {  	[smem:$0x3FBA] =	sst s10  }
0x35: {  	s10 =	sld [smem:$0x3FB9];
	_ =	sdelay $0x3  }
0x36: {  	p1 =	seq.s32 s10, $0x1;
	s10 =	sld [smem:$0x3FBA];
	_ =	sdelay $0x3  }
0x37: {  	[smem:$0x3FBA] =	sst s10  }
0x38: {  	s10 =	sld [smem:$0x3FBB]  }
0x39: {  	_ = 	snop;
	(pc) =	sbr.ind lr, $3  }
0x3a: {  	_ = 	snop  }
0x3b: {  	_ = 	snop  }
0x3c: {  	p2 =	seq.s32 s10, $0x1;
	s10 =	sld [smem:$0x3FBA]  }
0x3d: {  	_ =	shalt  }
0x3e: {  	_ =	shalt  }
0x3f: {  	_ =	shalt  }
0x40: {  	_ =	shalt  }
0x41: {  	_ =	shalt  }
0x42: {  	_ =	shalt  }
0x43: {  	_ =	shalt  }
0x44: {  	_ =	shalt  }
0x45: {  	_ =	shalt  }
0x46: {  	_ =	shalt  }
0x47: {  	_ =	shalt  }
0x48: {  	_ =	shalt  }
0x49: {  	_ =	shalt  }
0x4a: {  	_ =	shalt  }
0x4b: {  	_ =	shalt  }
0x4c: {  	_ =	shalt  }
0x4d: {  	_ =	shalt  }
0x4e: {  	_ =	shalt  }
0x4f: {  	_ =	shalt  }
0x50: {  	_ =	shalt  }
0x51: {  	_ =	shalt  }
0x52: {  	_ =	shalt  }
0x53: {  	_ =	shalt  }
0x54: {  	_ =	shalt  }
0x55: {  	_ =	shalt  }
0x56: {  	_ =	shalt  }
0x57: {  	_ =	shalt  }
0x58: {  	_ =	shalt  }
0x59: {  	_ =	shalt  }
0x5a: {  	_ =	shalt  }
0x5b: {  	_ =	shalt  }
0x5c: {  	_ =	shalt  }
0x5d: {  	_ =	shalt  }
0x5e: {  	_ =	shalt  }
0x5f: {  	_ =	shalt  }
0x60: {  	_ =	shalt  }
0x61: {  	_ =	shalt  }
0x62: {  	_ =	shalt  }
0x63: {  	_ =	shalt  }
0x64: {  	_ =	shalt  }
0x65: {  	_ =	shalt  }
0x66: {  	_ =	shalt  }
0x67: {  	_ =	shalt  }
0x68: {  	_ =	shalt  }
0x69: {  	_ =	shalt  }
0x6a: {  	_ =	shalt  }
0x6b: {  	_ =	shalt  }
0x6c: {  	_ =	shalt  }
0x6d: {  	_ =	shalt  }
0x6e: {  	_ =	shalt  }
0x6f: {  	_ =	shalt  }
0x70: {  	_ =	shalt  }
0x71: {  	_ =	shalt  }
0x72: {  	_ =	shalt  }
0x73: {  	_ =	shalt  }
0x74: {  	_ =	shalt  }
0x75: {  	_ =	shalt  }
0x76: {  	_ =	shalt  }
0x77: {  	_ =	shalt  }
0x78: {  	_ =	shalt  }
0x79: {  	_ =	shalt  }
0x7a: {  	_ =	shalt  }
0x7b: {  	_ =	shalt  }
0x7c: {  	_ =	shalt  }
0x7d: {  	_ =	shalt  }
0x7e: {  	_ =	shalt  }
0x7f: {  	_ =	shalt  }
0x80: {  	_ =	shalt  }
0x81: {  	_ =	shalt  }
0x82: {  	_ =	shalt  }
0x83: {  	_ =	shalt  }
0x84: {  	_ =	shalt  }
0x85: {  	_ =	shalt  }
0x86: {  	_ =	shalt  }
0x87: {  	_ =	shalt  }
.Lfunc_end0:
.L_simem_size_0:
called_computation_lowered:
.L_overlay_start_0:
0x88: {  	s2 =	sld [smem:$0x3FD9]  }
0x89: {  	s3 =	sld [smem:$0x3FFE];
	_ =	sdelay $0x1  }
0x8a: {  	s1 =	srdreg.scid  }
0x8b: {  	s0 =	sand.u32 $0x1, s1  }
0x8c: {  	s18 =	sshll.u32 s0, $0xA;
	s2 =	sadd.s32 s3, s2  }
0x8d: {  	s2 =	sadd.s32 s2, s18  }
0x8e: {  	[smem:$0x3FC6] =	sst s2  }
0x8f: {  	_ = 	snop  }
0x90: {  	s2 =	sld [smem:$0x3FC9]  }
0x91: {  	s19 =	sld [smem:$0x3FC8]  }
0x92: {  	s4 =	sld [smem:$0x3FD0];
	(tm) =	ssettm $0x1  }
0x93: {  	s5 =	sld [smem:$0x3FFB];
	_ =	sdelay $0x3  }
0x94: {  	_ =	strace s5  }
0x95: {  	s5 =	sld [smem:$0x3FFC];
	_ =	sdelay $0x3  }
0x96: {  	_ =	strace s5  }
0x97: {  	s5 =	sld [smem:$0x3FFD];
	_ =	sdelay $0x3  }
0x98: {  	_ =	strace s5  }
0x99: {  	_ =	strace $0x8FFFFFFF  }
0x9a: {  	s20 =	sld [smem:$0x3FDB];
	_ =	sdelay $0x1  }
0x9b: {  	s6 =	simm.s32 $_scs_section_size  }
0x9c: {  	s7 =	simm.s32 $_size__tile_overlayer_lowered;
	s8 =	simm.s32 $_tile_overlayer_lowered  }
0x9d: {  	s23 =	simm.s32 $0x1BFF;
	s22 =	sshll.u32 s8, $0x1;
	s5 =	sadd.s32 s6, s20  }
0x9e: {  	s9 =	simm.s32 $0x0;
	s21 =	sshll.u32 s7, $0x1;
	s7 =	sadd.s32 s22, s5  }
0x9f: {  	[timem:s9], [sflag:s23] =	dma.local [hbm:s7], s21  }
0xa0: {  	_ =	swait.ge [sflag:s23], s21  }
0xa1: {  	s6 =	ssub.s32 $0x0, s21;
	[sflag:s23] =	ssyncset.done $0x0  }
0xa2: {  	[sflag:s23] =	ssyncadd.s32 s6;
	_ =	sdelay $0x1  }
0xa3: {  	s24 =	simm.s32 $0x1B8B  }
0xa4: {  	_ =	swait.ge [sflag:s24], $0x1  }
0xa5: {  	[sflag:s24] =	ssyncset.done $0x0  }
0xa6: {  	s25 =	simm.s32 $0x1B8E;
	[sflag:s24] =	ssyncadd.s32 $0xFFFFFFFF  }
0xa7: {  	s26 =	simm.s32 $execute0_lowered;
	[smem:$0x3FD2] =	sst s25  }
0xa8: {  	s6 =	sshll.u32 s26, $0x1;
	_ =	strace $0x80000046;
	[dreg:$0x1] =	wrdreg $0xFFFFFFFF  }
0xa9: {  	s28 =	simm.s32 $_size_execute0_lowered;
	s5 =	sadd.s32 s5, s6;
	[dreg:$0x0] =	wrdreg $0x0  }
0xaa: {  	s6 =	sshll.u32 s28, $0x1;
	[dreg:$0x2] =	wrdreg s5  }
0xab: {  	[dreg:$0x3] =	wrdreg s6  }
0xac: {  	[dreg:$0x4] =	wrdreg $0xC0  }
0xad: {  	_ =	task [dreg:s9], $0x5FFFF  }
0xae: {  	[dreg:$0x1] =	wrdreg $0xFFFFFFFF  }
0xaf: {  	[dreg:$0x0] =	wrdreg $0x60  }
0xb0: {  	[dreg:$0x2] =	wrdreg s2  }
0xb1: {  	[dreg:$0x3] =	wrdreg s19  }
0xb2: {  	[dreg:$0x4] =	wrdreg s4  }
0xb3: {  	[dreg:$0x5] =	wrdreg $0x102000  }
0xb4: {  	[dreg:$0x6] =	wrdreg $0x9  }
0xb5: {  	_ =	task.clear_ibuf [dreg:s9], $0x7FFFF;
	_ =	strace $0x90000046  }
0xb6: {  	s29 =	simm.s32 $0x9;
	_ =	strace $0x80000048  }
0xb7: {  	_ =	swait.ge [sflag:s29], $0x1  }
0xb8: {  	[sflag:s29] =	ssyncadd.s32 $0xFFFFFFFF  }
0xb9: {  	_ =	strace $0x90000048  }
0xba: {  	_ =	sfence  }
0xbb: {  	s30 =	sld [smem:$0x0];
	_ =	sdelay $0x2  }
0xbc: {  	s31 =	sshll.u32 s1, $0xD;
	s1 =	sshrl.u32 s1, $0x2  }
0xbd: {  	s3 =	sand.u32 $0x4000, s31;
	s1 =	sadd.s32 s1, s30  }
0xbe: {  	s0 =	sor.u32 s3, s0;
	s1 =	sshll.u32 s1, $0x11  }
0xbf: {  	s0 =	sor.u32 s1, s0  }
0xc0: {  	s0 =	sadd.s32 $0x8F2B, s0  }
0xc1: {  	[sflag:s0] =	ssyncadd.remote.s32 $0x1  }
0xc2: {  	_ =	sfence.sel $0xFFFF  }
0xc3: {  	[dreg:$0x0] =	wrdreg $0xFFFFFFFF;
	(pc) =	sbr.abs _section_cstart, $3  }
0xc4: {  	[dreg:$0x1] =	wrdreg $0xFFFFFFFF  }
0xc5: {  	_ =	task.clear_ibuf [dreg:s9], $0x2FFFF;
	_ =	strace $0x9FFFFFFF  }
0xc6: {  	(tm) =	ssettm $0x7FFFFFFF  }
0xc7: {  	_ =	shalt  }
tec
execute0_lowered:
.L_overlay_start_1:
0x0: {  	(tag) =	ssettag $0x1  }
0x1: {  	s3 =	rddreg [dreg:$0x0]  }
0x2: {  	s6 =	rddreg [dreg:$0x1]  }
0x3: {  	s4 =	rddreg [dreg:$0x2]  }
0x4: {  	s2 =	rddreg [dreg:$0x3];
	s1 =	srdreg.scid  }
0x5: {  	s0 =	rddreg [dreg:$0x4];
	s5 =	stileid.u32;
	s7 =	sand.u32 $0x1, s1  }
0x6: {  	s16 =	simm.s32 $0x3;
	s9 =	sshll.u32 s7, $0x9;
	s7 =	ssub.s32 $0x2, s7  }
0x7: {  	s15 =	simm.s32 $0x80;
	s13 =	simm.s32 $0x200;
	s10 =	sshrl.u32 s7, $0x1  }
0x8: {  	s17 =	simm.s32 $0x100;
	s18 =	simm.s32 $0x180;
	s30 =	ssub.s32 s7, s10  }
0x9: {  	s12 =	simm.s32 $0x1;
	p1 =	por $0x0, $0x0;
	s31 =	smax.u32 s30, $0x1  }
0xa: {  	s1 =	simm.s32 $0x0;
	s8 =	sshll.u32 s5, $0xA;
	s22 =	sadd.s32 $0xFFFFFFFF, s31  }
0xb: {  	p0 =	sne.s32 s5, $0x0;
	s5 =	simm.s32 $0x2;
	p2 =	sne.s32 s22, $0x0  }
.Ltmp0:
0xc: {  	[smem:$0x7FF] =	sst s1;
	s8 =	sor.u32 s9, s8;
	(pc) =	sbr.rel @!p2 .LBB2_3-.Ltmp0, $4  }
0xd: {  	s19 =	sshrl.u32 @!p0 s2, $0x3;
	_ =	strace $0x80000047;
	s9 =	sshll.u32 s8, $0x4  }
0xe: {  	s11 =	sshrl.u32 s8, $0x3;
	s10 =	simm.s32 $0x8200;
	s8 =	sadd.s32 s4, s9  }
0xf: {  	s14 =	sadd.s32 s3, s11;
	s11 =	simm.s32 $0x4200;
	s9 =	simm.s32 $0xC200  }
0x10: {  	s7 =	sadd.s32 $0x800, s8;
	s4 =	sadd.s32 $0x1000, s8;
	s3 =	sadd.s32 $0x1800, s8  }
0x11: {  	s20 =	simm.s32 @!p0 $0x1C03;
	s21 =	simm.s32 @!p0 $0x3  }
0x12: {  	[spmem:s19], [sflag:s20] =	dma.local @!p0 [hbm:s6], $0x3E80  }
0x13: {  	_ =	swait.ge @!p0 [sflag:s21], $0x3E80  }
0x14: {  	[sflag:s21] =	ssyncset.done @!p0 $0x0  }
0x15: {  	[sflag:s21] =	ssyncadd.s32 @!p0 $0xFFFFC180  }
0x16: {  	[tilespmem:s1], [sflag:$0x3] =	stream.linear.gather [hbm4b:s14+s1], $0x200, $0x38;
	[tilespmem:$0x12140] =	vst v63  }
0x17: {  	_ =	swait.ge [sflag:s16], $0x200  }
0x18: {  	[sflag:s16] =	ssyncset.done $0x0  }
0x19: {  	[sflag:s16] =	ssyncadd.s32 $0xFFFFFE00  }
0x1a: {  	[bflag:$0x0] =	sbarrier.arrive $0xFFFF  }
0x1b: {  	[tilespmem:s13], [sflag:$0x1] =	stream.indirect.gather [spmem:s2], $0x80, s1, s15, $0xb8;
	[tilespmem:$0x12140] =	vst v63  }
0x1c: {  	_ = 	snop  }
0x1d: {  	[tilespmem:s11], [sflag:$0x1] =	stream.indirect.gather [spmem:s2], $0x80, s15, s15, $0xb8;
	[tilespmem:$0x12140] =	vst v63  }
0x1e: {  	_ = 	snop  }
0x1f: {  	[tilespmem:s10], [sflag:$0x1] =	stream.indirect.gather [spmem:s2], $0x80, s17, s15, $0xb8;
	[tilespmem:$0x12140] =	vst v63  }
0x20: {  	_ = 	snop  }
0x21: {  	[tilespmem:s9], [sflag:$0x1] =	stream.indirect.gather [spmem:s2], $0x80, s18, s15, $0xb8;
	[tilespmem:$0x12140] =	vst v63  }
0x22: {  	_ =	swait.ge [sflag:s12], $0x4000  }
0x23: {  	[sflag:s12] =	ssyncset.done $0x0  }
0x24: {  	[sflag:s12] =	ssyncadd.s32 $0xFFFFC000  }
0x25: {  	[hbm4b:s8+s1] =	stream.linear.scatter [tilespmem:s13], [sflag:$0x2], $0x4000, $0x38;
	[tilespmem:$0x12140] =	vst v63  }
0x26: {  	_ =	swait.ge [sflag:s12], $0x4000  }
0x27: {  	[sflag:s12] =	ssyncset.done $0x0  }
0x28: {  	[sflag:s12] =	ssyncadd.s32 $0xFFFFC000  }
0x29: {  	[hbm4b:s7+s1] =	stream.linear.scatter [tilespmem:s11], [sflag:$0x2], $0x4000, $0x38;
	[tilespmem:$0x12140] =	vst v63  }
0x2a: {  	_ =	swait.ge [sflag:s12], $0x4000  }
0x2b: {  	[sflag:s12] =	ssyncset.done $0x0  }
0x2c: {  	[sflag:s12] =	ssyncadd.s32 $0xFFFFC000  }
0x2d: {  	[hbm4b:s4+s1] =	stream.linear.scatter [tilespmem:s10], [sflag:$0x2], $0x4000, $0x38;
	[tilespmem:$0x12140] =	vst v63  }
0x2e: {  	_ =	swait.ge [sflag:s12], $0x4000  }
0x2f: {  	[sflag:s12] =	ssyncset.done $0x0  }
0x30: {  	[sflag:s12] =	ssyncadd.s32 $0xFFFFC000  }
0x31: {  	[hbm4b:s3+s1] =	stream.linear.scatter [tilespmem:s9], [sflag:$0x2], $0x4000, $0x38;
	[tilespmem:$0x12140] =	vst v63  }
0x32: {  	_ =	swait.ge [sflag:s5], $0x4000  }
0x33: {  	[sflag:s5] =	ssyncset.done $0x0  }
0x34: {  	[sflag:s5] =	ssyncadd.s32 $0xFFFFC000  }
0x35: {  	_ =	swait.ge [sflag:s5], $0x4000  }
0x36: {  	s22 =	sadd.s32 $0xFFFFFFFF, s22;
	[sflag:s5] =	ssyncset.done $0x0  }
0x37: {  	p2 =	sne.s32 s22, $0x0;
	[sflag:s5] =	ssyncadd.s32 $0xFFFFC000  }
.Ltmp1:
0x38: {  	_ =	swait.ge [sflag:s5], $0x4000;
	(pc) =	sbr.rel @!p2 .LBB2_3-.Ltmp1, $4  }
0x39: {  	[sflag:s5] =	ssyncset.done $0x0  }
0x3a: {  	[sflag:s5] =	ssyncadd.s32 $0xFFFFC000  }
0x3b: {  	_ =	swait.ge [sflag:s5], $0x4000  }
0x3c: {  	p1 =	por $0x1, $0x1;
	[sflag:s5] =	ssyncset.done $0x0  }
.LBB2_2:
0x3d: {  	[sflag:s5] =	ssyncadd.s32 $0xFFFFC000  }
0x3e: {  	[spmem:s19], [sflag:s20] =	dma.local @!p0 [hbm:s6], $0x3E80  }
0x3f: {  	s22 =	sadd.s32 $0xFFFFFFFF, s22;
	_ =	swait.ge @!p0 [sflag:s21], $0x3E80  }
0x40: {  	p2 =	sne.s32 s22, $0x0;
	[sflag:s21] =	ssyncset.done @!p0 $0x0  }
0x41: {  	[sflag:s21] =	ssyncadd.s32 @!p0 $0xFFFFC180  }
0x42: {  	[tilespmem:s1], [sflag:$0x3] =	stream.linear.gather [hbm4b:s14+s1], $0x200, $0x38;
	[tilespmem:$0x12140] =	vst v63  }
0x43: {  	_ =	swait.ge [sflag:s16], $0x200  }
0x44: {  	[sflag:s16] =	ssyncset.done $0x0  }
0x45: {  	[sflag:s16] =	ssyncadd.s32 $0xFFFFFE00  }
0x46: {  	[bflag:$0x0] =	sbarrier.arrive $0xFFFF  }
0x47: {  	[tilespmem:s13], [sflag:$0x1] =	stream.indirect.gather [spmem:s2], $0x80, s1, s15, $0xb8;
	[tilespmem:$0x12140] =	vst v63  }
0x48: {  	_ = 	snop  }
0x49: {  	[tilespmem:s11], [sflag:$0x1] =	stream.indirect.gather [spmem:s2], $0x80, s15, s15, $0xb8;
	[tilespmem:$0x12140] =	vst v63  }
0x4a: {  	_ = 	snop  }
0x4b: {  	[tilespmem:s10], [sflag:$0x1] =	stream.indirect.gather [spmem:s2], $0x80, s17, s15, $0xb8;
	[tilespmem:$0x12140] =	vst v63  }
0x4c: {  	_ = 	snop  }
0x4d: {  	[tilespmem:s9], [sflag:$0x1] =	stream.indirect.gather [spmem:s2], $0x80, s18, s15, $0xb8;
	[tilespmem:$0x12140] =	vst v63  }
0x4e: {  	_ =	swait.ge [sflag:s12], $0x4000  }
0x4f: {  	[sflag:s12] =	ssyncset.done $0x0  }
0x50: {  	[sflag:s12] =	ssyncadd.s32 $0xFFFFC000  }
0x51: {  	[hbm4b:s8+s1] =	stream.linear.scatter [tilespmem:s13], [sflag:$0x2], $0x4000, $0x38;
	[tilespmem:$0x12140] =	vst v63  }
0x52: {  	_ =	swait.ge [sflag:s12], $0x4000  }
0x53: {  	[sflag:s12] =	ssyncset.done $0x0  }
0x54: {  	[sflag:s12] =	ssyncadd.s32 $0xFFFFC000  }
0x55: {  	[hbm4b:s7+s1] =	stream.linear.scatter [tilespmem:s11], [sflag:$0x2], $0x4000, $0x38;
	[tilespmem:$0x12140] =	vst v63  }
0x56: {  	_ =	swait.ge [sflag:s12], $0x4000  }
0x57: {  	[sflag:s12] =	ssyncset.done $0x0  }
0x58: {  	[sflag:s12] =	ssyncadd.s32 $0xFFFFC000  }
0x59: {  	[hbm4b:s4+s1] =	stream.linear.scatter [tilespmem:s10], [sflag:$0x2], $0x4000, $0x38;
	[tilespmem:$0x12140] =	vst v63  }
0x5a: {  	_ =	swait.ge [sflag:s12], $0x4000  }
0x5b: {  	[sflag:s12] =	ssyncset.done $0x0  }
0x5c: {  	[sflag:s12] =	ssyncadd.s32 $0xFFFFC000  }
0x5d: {  	[hbm4b:s3+s1] =	stream.linear.scatter [tilespmem:s9], [sflag:$0x2], $0x4000, $0x38;
	[tilespmem:$0x12140] =	vst v63  }
0x5e: {  	_ =	swait.ge [sflag:s5], $0x4000  }
0x5f: {  	[sflag:s5] =	ssyncset.done $0x0  }
0x60: {  	[sflag:s5] =	ssyncadd.s32 $0xFFFFC000  }
0x61: {  	_ =	swait.ge [sflag:s5], $0x4000  }
0x62: {  	[sflag:s5] =	ssyncset.done $0x0  }
0x63: {  	[sflag:s5] =	ssyncadd.s32 $0xFFFFC000  }
.Ltmp2:
0x64: {  	_ =	swait.ge [sflag:s5], $0x4000;
	(pc) =	sbr.rel @p2 .LBB2_2-.Ltmp2, $4  }
0x65: {  	[sflag:s5] =	ssyncset.done $0x0  }
0x66: {  	[sflag:s5] =	ssyncadd.s32 $0xFFFFC000  }
0x67: {  	_ =	swait.ge [sflag:s5], $0x4000  }
0x68: {  	[sflag:s5] =	ssyncset.done $0x0  }
.LBB2_3:
0x69: {  	s20 =	simm.s32 @!p0 $0x1C03;
	s21 =	simm.s32 @!p0 $0x3;
	[sflag:s5] =	ssyncadd.s32 @p1 $0xFFFFC000  }
0x6a: {  	[spmem:s19], [sflag:s20] =	dma.local @!p0 [hbm:s6], $0x3E80  }
0x6b: {  	_ =	swait.ge @!p0 [sflag:s21], $0x3E80  }
0x6c: {  	[sflag:s21] =	ssyncset.done @!p0 $0x0  }
0x6d: {  	[sflag:s21] =	ssyncadd.s32 @!p0 $0xFFFFC180  }
0x6e: {  	[tilespmem:s1], [sflag:$0x3] =	stream.linear.gather [hbm4b:s14+s1], $0x200, $0x38;
	[tilespmem:$0x12140] =	vst v63  }
0x6f: {  	_ =	swait.ge [sflag:s16], $0x200  }
0x70: {  	[sflag:s16] =	ssyncset.done $0x0  }
0x71: {  	[sflag:s16] =	ssyncadd.s32 $0xFFFFFE00  }
0x72: {  	[bflag:$0x0] =	sbarrier.arrive $0xFFFF  }
0x73: {  	[tilespmem:s13], [sflag:$0x1] =	stream.indirect.gather [spmem:s2], $0x80, s1, s15, $0xb8;
	[tilespmem:$0x12140] =	vst v63  }
0x74: {  	_ = 	snop  }
0x75: {  	[tilespmem:s11], [sflag:$0x1] =	stream.indirect.gather [spmem:s2], $0x80, s15, s15, $0xb8;
	[tilespmem:$0x12140] =	vst v63  }
0x76: {  	_ = 	snop  }
0x77: {  	[tilespmem:s10], [sflag:$0x1] =	stream.indirect.gather [spmem:s2], $0x80, s17, s15, $0xb8;
	[tilespmem:$0x12140] =	vst v63  }
0x78: {  	_ = 	snop  }
0x79: {  	[tilespmem:s9], [sflag:$0x1] =	stream.indirect.gather [spmem:s2], $0x80, s18, s15, $0xb8;
	[tilespmem:$0x12140] =	vst v63  }
0x7a: {  	_ =	swait.ge [sflag:s12], $0x4000  }
0x7b: {  	[sflag:s12] =	ssyncset.done $0x0  }
0x7c: {  	[sflag:s12] =	ssyncadd.s32 $0xFFFFC000  }
0x7d: {  	[hbm4b:s8+s1] =	stream.linear.scatter [tilespmem:s13], [sflag:$0x2], $0x4000, $0x38;
	[tilespmem:$0x12140] =	vst v63  }
0x7e: {  	_ =	swait.ge [sflag:s12], $0x4000  }
0x7f: {  	[sflag:s12] =	ssyncset.done $0x0  }
0x80: {  	[sflag:s12] =	ssyncadd.s32 $0xFFFFC000  }
0x81: {  	[hbm4b:s7+s1] =	stream.linear.scatter [tilespmem:s11], [sflag:$0x2], $0x4000, $0x38;
	[tilespmem:$0x12140] =	vst v63  }
0x82: {  	_ =	swait.ge [sflag:s12], $0x4000  }
0x83: {  	[sflag:s12] =	ssyncset.done $0x0  }
0x84: {  	[sflag:s12] =	ssyncadd.s32 $0xFFFFC000  }
0x85: {  	[hbm4b:s4+s1] =	stream.linear.scatter [tilespmem:s10], [sflag:$0x2], $0x4000, $0x38;
	[tilespmem:$0x12140] =	vst v63  }
0x86: {  	_ =	swait.ge [sflag:s12], $0x4000  }
0x87: {  	[sflag:s12] =	ssyncset.done $0x0  }
0x88: {  	[sflag:s12] =	ssyncadd.s32 $0xFFFFC000  }
0x89: {  	[hbm4b:s3+s1] =	stream.linear.scatter [tilespmem:s9], [sflag:$0x2], $0x4000, $0x38;
	[tilespmem:$0x12140] =	vst v63  }
0x8a: {  	_ =	swait.ge [sflag:s5], $0x4000  }
0x8b: {  	[sflag:s5] =	ssyncset.done $0x0  }
0x8c: {  	[sflag:s5] =	ssyncadd.s32 $0xFFFFC000  }
0x8d: {  	_ =	swait.ge [sflag:s5], $0x4000  }
0x8e: {  	[sflag:s5] =	ssyncset.done $0x0  }
0x8f: {  	[sflag:s5] =	ssyncadd.s32 $0xFFFFC000  }
0x90: {  	_ =	swait.ge [sflag:s5], $0x4000  }
0x91: {  	[sflag:s5] =	ssyncset.done $0x0  }
0x92: {  	[sflag:s5] =	ssyncadd.s32 $0xFFFFC000  }
0x93: {  	_ =	swait.ge [sflag:s5], $0x4000  }
0x94: {  	[sflag:s5] =	ssyncset.done $0x0  }
0x95: {  	[sflag:s5] =	ssyncadd.s32 $0xFFFFC000  }
0x96: {  	_ =	sfence.sel $0x180000  }
0x97: {  	[bflag:$0x0] =	sbarrier.arrive $0xFFFF  }
0x98: {  	_ =	strace $0x90000047  }
0x99: {  	s0 =	sadd.s32 @!p0 $0x100000, s0;
	[bflag:$0x2] =	sbarrier.arrive $0xFFFF  }
0x9a: {  	[sflag:s0] =	ssyncadd.tile.s32 @!p0 $0x1;
	_ =	shalt  }
.Lfunc_end2:
_tile_overlayer_lowered:
.L_overlay_start_2:
0x9b: {  	(tag) =	ssettag $0x2  }
0x9c: {  	s0 =	rddreg [dreg:$0x0];
	s2 =	stileid.u32  }
0x9d: {  	s1 =	rddreg [dreg:$0x1];
	p0 =	sne.s32 s2, $0x0  }
0x9e: {  	s3 =	rddreg [dreg:$0x2];
	[bflag:$0x3] =	sbarrier.arrive $0xFFFF;
	s2 =	simm.s32 @!p0 $0x1C03  }
0x9f: {  	[timem:s3], [sflag:s2] =	dma.local @!p0 [hbm:s0], s1  }
0xa0: {  	s0 =	simm.s32 @!p0 $0x3  }
0xa1: {  	_ =	swait.ge @!p0 [sflag:s0], s1  }
0xa2: {  	s1 =	ssub.s32 @!p0 $0x0, s1;
	[sflag:s0] =	ssyncset.done @!p0 $0x0  }
0xa3: {  	[sflag:s0] =	ssyncadd.s32 @!p0 s1  }
0xa4: {  	[bflag:$0x3] =	sbarrier.arrive $0xFFFF  }
0xa5: {  	_ =	shalt  }

</sc_bundles>
